<compile_context>
chip_gen: v7x
topology: tpu7x:2x2x1
jax: 0.10.2.dev20260603
libtpu: 0.0.44.dev20260713+nightly
codegen_flags: <defaults>
</compile_context>

<pallas_src>
import functools

import jax
import jax.numpy as jnp
from jax import lax
from jax.experimental import pallas as pl
from jax.experimental.pallas import tpu as pltpu
from jax.experimental.pallas import tpu_sc as plsc

_EMB_DIM = 32
_ROWS = 16384
_COLS = 100
_B = _ROWS * _COLS

_info = plsc.get_sparse_core_info()
_NC = _info.num_cores
_NS = _info.num_subcores
_NW = _NC * _NS
_R_PER_W = _ROWS // _NW
_B_PER_W = _R_PER_W * _COLS
_CHUNK_I = 8
_CHUNK = _CHUNK_I * _COLS
_NBUF = 2
_N_CHUNKS = _R_PER_W // _CHUNK_I

_mesh = plsc.VectorSubcoreMesh(core_axis_name="c", subcore_axis_name="s")


@functools.partial(
    pl.kernel,
    mesh=_mesh,
    compiler_params=pltpu.CompilerParams(use_tc_tiling_on_sc=False),
    out_type=jax.ShapeDtypeStruct((_ROWS, _EMB_DIM, _COLS), jnp.float32),
    scratch_types=[
        pltpu.VMEM((_B_PER_W,), jnp.int32),
        *([pltpu.VMEM((_CHUNK, _EMB_DIM), jnp.float32)] * _NBUF),
        pltpu.VMEM((_CHUNK_I, _EMB_DIM, _COLS), jnp.float32),
        *([pltpu.SemaphoreType.DMA] * _NBUF),
    ],
)
def _emb_lookup(ids_hbm, table_hbm, out_hbm, idx_v, *bufs):
    rows = bufs[:_NBUF]
    img = bufs[_NBUF]
    sems = bufs[_NBUF + 1:]
    wid = lax.axis_index("s") * _NC + lax.axis_index("c")
    base = wid * _B_PER_W
    row0 = wid * _R_PER_W
    pltpu.sync_copy(ids_hbm.at[pl.ds(base, _B_PER_W)], idx_v)

    def gather_start(c, b):
        pltpu.make_async_copy(
            table_hbm.at[idx_v.at[pl.ds(c * _CHUNK, _CHUNK)]],
            rows[b],
            sems[b],
        ).start()

    def gather_wait(b):
        pltpu.make_async_copy(
            table_hbm.at[idx_v.at[pl.ds(0, _CHUNK)]],
            rows[b],
            sems[b],
        ).wait()

    def store(c, b):
        del b
        pltpu.sync_copy(img, out_hbm.at[pl.ds(row0 + c * _CHUNK_I, _CHUNK_I)])

    for b in range(_NBUF):
        gather_start(b, b)

    def body(i, carry):
        c = _NBUF * i
        for b in range(_NBUF):
            gather_wait(b)
            store(c + b, b)
            gather_start(c + b + _NBUF, b)
        return carry

    lax.fori_loop(0, _N_CHUNKS // _NBUF - 1, body, 0)

    c = _N_CHUNKS - _NBUF
    for b in range(_NBUF):
        gather_wait(b)
        store(c + b, b)


def kernel(term_ids, emb_weight):
    ids = term_ids.reshape(-1).astype(jnp.int32)
    return jnp.swapaxes(_emb_lookup(ids, emb_weight), 1, 2)

# --- scband reference (transcript-rebuilt; emitter-appended) ---
"""Pipeline reference for scband-goembedding-18124761989186 (READ-ONLY COPY).

The authoritative reference and input builder live on the scoring server;
editing this copy changes nothing except your own understanding.
"""

import jax, jax.numpy as jnp
import numpy as np

LABEL_SIZE = 1000000
EMB_DIM = 32

def setup_inputs(seed: int = 0) -> dict:
    key = jax.random.key(seed)
    k1, k2 = jax.random.split(key)
    term_ids = jax.random.randint(k1, (16384, 100), 0, LABEL_SIZE, dtype=jnp.int64 if jax.config.jax_enable_x64 else jnp.int32)
    emb_weight = jax.random.normal(k2, (LABEL_SIZE, EMB_DIM), dtype=jnp.float32)
    return {"term_ids": term_ids, "emb_weight": emb_weight}

def reference(term_ids, emb_weight):
    # GOEmbedding.forward: term_vec = self.emb(term_ids)
    term_vec = jnp.take(emb_weight, term_ids, axis=0)
    return term_vec

if __name__ == "__main__":
    import jax
    _d = setup_inputs()
    print(jax.jit(kernel)(*tuple(_d.values())))

</pallas_src>

<mosaic_0001>
#map = affine_map<(d0, d1) -> (0)>
#map1 = affine_map<(d0, d1) -> (0, 0)>
#map2 = affine_map<(d0, d1) -> (0, 0, 0)>
module attributes {stable_mosaic.version = 14 : i64} {
  func.func @_emb_lookup(%arg0: i32, %arg1: i32, %arg2: memref<1638400xi32, #tpu.memory_space<hbm>>, %arg3: memref<1000000x32xf32, #tpu.memory_space<hbm>>, %arg4: memref<16384x32x100xf32, #tpu.memory_space<hbm>>, %arg5: memref<51200xi32, #tpu.memory_space<vmem>>, %arg6: memref<800x32xf32, #tpu.memory_space<vmem>>, %arg7: memref<800x32xf32, #tpu.memory_space<vmem>>, %arg8: memref<8x32x100xf32, #tpu.memory_space<vmem>>, %arg9: memref<!tpu.dma_semaphore, #tpu.memory_space<semaphore_mem>>, %arg10: memref<!tpu.dma_semaphore, #tpu.memory_space<semaphore_mem>>) attributes {dimension_semantics = [#tpu.dimension_semantics<core_parallel>, #tpu.dimension_semantics<subcore_parallel>], iteration_bounds = array<i64: 2, 16>, scalar_prefetch = 0 : i64, scratch_operands = 6 : i64, tpu.core_type = #tpu.core_type<sc_vector_subcore>, window_params = [{transform_indices = #map}, {transform_indices = #map1}, {transform_indices = #map2}]} {
    %mul3A = arith.constant 2 : i32
    %mul3A_0 = arith.muli %arg1, %mul3A : i32
    %add3A = arith.addi %mul3A_0, %arg0 : i32
    %mul3A_1 = arith.constant 51200 : i32
    %mul3A_2 = arith.muli %add3A, %mul3A_1 : i32
    %mul3A_3 = arith.constant 512 : i32
    %mul3A_4 = arith.muli %add3A, %mul3A_3 : i32
    "tpu.region"() ({
      %run_scoped3A = tpu.sem_alloc : memref<!tpu.dma_semaphore, #tpu.memory_space<semaphore_mem>>
      %dma_start3A_32 = tpu.memref_slice %arg2[%mul3A_2] : memref<1638400xi32, #tpu.memory_space<hbm>> -> memref<51200xi32, #tpu.memory_space<hbm>>
      %dma_start3A_33 = tpu.memref_slice %arg2[%mul3A_2] : memref<1638400xi32, #tpu.memory_space<hbm>> -> memref<51200xi32, #tpu.memory_space<hbm>>
      tpu.enqueue_dma source(%dma_start3A_33 : memref<51200xi32, #tpu.memory_space<hbm>>) target(%arg5 : memref<51200xi32, #tpu.memory_space<vmem>>) target_semaphore(%run_scoped3A : memref<!tpu.dma_semaphore, #tpu.memory_space<semaphore_mem>>)
      %dma_wait3A_34 = tpu.memref_slice %arg2[%mul3A_2] : memref<1638400xi32, #tpu.memory_space<hbm>> -> memref<51200xi32, #tpu.memory_space<hbm>>
      %dma_wait3A_35 = tpu.memref_slice %arg2[%mul3A_2] : memref<1638400xi32, #tpu.memory_space<hbm>> -> memref<51200xi32, #tpu.memory_space<hbm>>
      tpu.wait_dma2 semaphore(%run_scoped3A : memref<!tpu.dma_semaphore, #tpu.memory_space<semaphore_mem>>) src(%dma_wait3A_35 : memref<51200xi32, #tpu.memory_space<hbm>>) dst(%arg5 : memref<51200xi32, #tpu.memory_space<vmem>>)
      tpu.yield
    }) : () -> ()
    %dma_start3A = arith.constant 0 : i32
    %dma_start3A_5 = tpu.memref_slice %arg5[%dma_start3A] : memref<51200xi32, #tpu.memory_space<vmem>> -> memref<800xi32, #tpu.memory_space<vmem>>
    %dma_start3A_6 = arith.constant 0 : i32
    %dma_start3A_7 = arith.constant 0 : i32
    %dma_start3A_8 = tpu.memref_slice %arg3[%dma_start3A_6, %dma_start3A_7] : memref<1000000x32xf32, #tpu.memory_space<hbm>> -> memref<1000000x32xf32, #tpu.memory_space<hbm>>
    tpu.enqueue_indirect_dma source(%dma_start3A_8 : memref<1000000x32xf32, #tpu.memory_space<hbm>>) target(%arg6 : memref<800x32xf32, #tpu.memory_space<vmem>>) offsets(%dma_start3A_5 : memref<800xi32, #tpu.memory_space<vmem>>) semaphore(%arg9 : memref<!tpu.dma_semaphore, #tpu.memory_space<semaphore_mem>>)
    %dma_start3A_9 = arith.constant 800 : i32
    %dma_start3A_10 = tpu.memref_slice %arg5[%dma_start3A_9] : memref<51200xi32, #tpu.memory_space<vmem>> -> memref<800xi32, #tpu.memory_space<vmem>>
    %dma_start3A_11 = arith.constant 0 : i32
    %dma_start3A_12 = arith.constant 0 : i32
    %dma_start3A_13 = tpu.memref_slice %arg3[%dma_start3A_11, %dma_start3A_12] : memref<1000000x32xf32, #tpu.memory_space<hbm>> -> memref<1000000x32xf32, #tpu.memory_space<hbm>>
    tpu.enqueue_indirect_dma source(%dma_start3A_13 : memref<1000000x32xf32, #tpu.memory_space<hbm>>) target(%arg7 : memref<800x32xf32, #tpu.memory_space<vmem>>) offsets(%dma_start3A_10 : memref<800xi32, #tpu.memory_space<vmem>>) semaphore(%arg10 : memref<!tpu.dma_semaphore, #tpu.memory_space<semaphore_mem>>)
    %scan3A = arith.constant 0 : i32
    %scan3A_14 = arith.constant 0 : i32
    %scan3A_15 = arith.constant 31 : i32
    %scan3A_16 = arith.addi %scan3A_14, %scan3A_15 : i32
    %scan3A_17 = arith.constant 1 : i32
    scf.for %scan3A_32 = %scan3A_14 to %scan3A_16 step %scan3A_17  : i32 {
      %mul3A_33 = arith.constant 2 : i32
      %mul3A_34 = arith.muli %mul3A_33, %scan3A_32 : i32
      %dma_wait3A_35 = arith.constant 0 : i32
      %dma_wait3A_36 = tpu.memref_slice %arg5[%dma_wait3A_35] : memref<51200xi32, #tpu.memory_space<vmem>> -> memref<800xi32, #tpu.memory_space<vmem>>
      %dma_wait3A_37 = arith.constant 0 : i32
      %dma_wait3A_38 = arith.constant 0 : i32
      %dma_wait3A_39 = tpu.memref_slice %arg3[%dma_wait3A_37, %dma_wait3A_38] : memref<1000000x32xf32, #tpu.memory_space<hbm>> -> memref<1000000x32xf32, #tpu.memory_space<hbm>>
      tpu.wait_indirect_dma semaphore(%arg9 : memref<!tpu.dma_semaphore, #tpu.memory_space<semaphore_mem>>) src(%dma_wait3A_39 : memref<1000000x32xf32, #tpu.memory_space<hbm>>) dst(%arg6 : memref<800x32xf32, #tpu.memory_space<vmem>>)
      %add3A_40 = arith.constant 0 : i32
      %add3A_41 = arith.addi %mul3A_34, %add3A_40 : i32
      %mul3A_42 = arith.constant 8 : i32
      %mul3A_43 = arith.muli %add3A_41, %mul3A_42 : i32
      %add3A_44 = arith.addi %mul3A_4, %mul3A_43 : i32
      "tpu.region"() ({
        %run_scoped3A = tpu.sem_alloc : memref<!tpu.dma_semaphore, #tpu.memory_space<semaphore_mem>>
        %dma_start3A_75 = arith.constant 0 : i32
        %dma_start3A_76 = arith.constant 0 : i32
        %dma_start3A_77 = tpu.memref_slice %arg4[%add3A_44, %dma_start3A_75, %dma_start3A_76] : memref<16384x32x100xf32, #tpu.memory_space<hbm>> -> memref<8x32x100xf32, #tpu.memory_space<hbm>>
        %dma_start3A_78 = arith.constant 0 : i32
        %dma_start3A_79 = arith.constant 0 : i32
        %dma_start3A_80 = tpu.memref_slice %arg4[%add3A_44, %dma_start3A_78, %dma_start3A_79] : memref<16384x32x100xf32, #tpu.memory_space<hbm>> -> memref<8x32x100xf32, #tpu.memory_space<hbm>>
        tpu.enqueue_dma source(%arg8 : memref<8x32x100xf32, #tpu.memory_space<vmem>>) target(%dma_start3A_80 : memref<8x32x100xf32, #tpu.memory_space<hbm>>) target_semaphore(%run_scoped3A : memref<!tpu.dma_semaphore, #tpu.memory_space<semaphore_mem>>)
        %dma_wait3A_81 = arith.constant 0 : i32
        %dma_wait3A_82 = arith.constant 0 : i32
        %dma_wait3A_83 = tpu.memref_slice %arg4[%add3A_44, %dma_wait3A_81, %dma_wait3A_82] : memref<16384x32x100xf32, #tpu.memory_space<hbm>> -> memref<8x32x100xf32, #tpu.memory_space<hbm>>
        %dma_wait3A_84 = arith.constant 0 : i32
        %dma_wait3A_85 = arith.constant 0 : i32
        %dma_wait3A_86 = tpu.memref_slice %arg4[%add3A_44, %dma_wait3A_84, %dma_wait3A_85] : memref<16384x32x100xf32, #tpu.memory_space<hbm>> -> memref<8x32x100xf32, #tpu.memory_space<hbm>>
        tpu.wait_dma2 semaphore(%run_scoped3A : memref<!tpu.dma_semaphore, #tpu.memory_space<semaphore_mem>>) src(%arg8 : memref<8x32x100xf32, #tpu.memory_space<vmem>>) dst(%dma_wait3A_86 : memref<8x32x100xf32, #tpu.memory_space<hbm>>)
        tpu.yield
      }) : () -> ()
      %add3A_45 = arith.constant 0 : i32
      %add3A_46 = arith.addi %mul3A_34, %add3A_45 : i32
      %add3A_47 = arith.constant 2 : i32
      %add3A_48 = arith.addi %add3A_46, %add3A_47 : i32
      %mul3A_49 = arith.constant 800 : i32
      %mul3A_50 = arith.muli %add3A_48, %mul3A_49 : i32
      %dma_start3A_51 = tpu.memref_slice %arg5[%mul3A_50] : memref<51200xi32, #tpu.memory_space<vmem>> -> memref<800xi32, #tpu.memory_space<vmem>>
      %dma_start3A_52 = arith.constant 0 : i32
      %dma_start3A_53 = arith.constant 0 : i32
      %dma_start3A_54 = tpu.memref_slice %arg3[%dma_start3A_52, %dma_start3A_53] : memref<1000000x32xf32, #tpu.memory_space<hbm>> -> memref<1000000x32xf32, #tpu.memory_space<hbm>>
      tpu.enqueue_indirect_dma source(%dma_start3A_54 : memref<1000000x32xf32, #tpu.memory_space<hbm>>) target(%arg6 : memref<800x32xf32, #tpu.memory_space<vmem>>) offsets(%dma_start3A_51 : memref<800xi32, #tpu.memory_space<vmem>>) semaphore(%arg9 : memref<!tpu.dma_semaphore, #tpu.memory_space<semaphore_mem>>)
      %dma_wait3A_55 = arith.constant 0 : i32
      %dma_wait3A_56 = tpu.memref_slice %arg5[%dma_wait3A_55] : memref<51200xi32, #tpu.memory_space<vmem>> -> memref<800xi32, #tpu.memory_space<vmem>>
      %dma_wait3A_57 = arith.constant 0 : i32
      %dma_wait3A_58 = arith.constant 0 : i32
      %dma_wait3A_59 = tpu.memref_slice %arg3[%dma_wait3A_57, %dma_wait3A_58] : memref<1000000x32xf32, #tpu.memory_space<hbm>> -> memref<1000000x32xf32, #tpu.memory_space<hbm>>
      tpu.wait_indirect_dma semaphore(%arg10 : memref<!tpu.dma_semaphore, #tpu.memory_space<semaphore_mem>>) src(%dma_wait3A_59 : memref<1000000x32xf32, #tpu.memory_space<hbm>>) dst(%arg7 : memref<800x32xf32, #tpu.memory_space<vmem>>)
      %add3A_60 = arith.constant 1 : i32
      %add3A_61 = arith.addi %mul3A_34, %add3A_60 : i32
      %mul3A_62 = arith.constant 8 : i32
      %mul3A_63 = arith.muli %add3A_61, %mul3A_62 : i32
      %add3A_64 = arith.addi %mul3A_4, %mul3A_63 : i32
      "tpu.region"() ({
        %run_scoped3A = tpu.sem_alloc : memref<!tpu.dma_semaphore, #tpu.memory_space<semaphore_mem>>
        %dma_start3A_75 = arith.constant 0 : i32
        %dma_start3A_76 = arith.constant 0 : i32
        %dma_start3A_77 = tpu.memref_slice %arg4[%add3A_64, %dma_start3A_75, %dma_start3A_76] : memref<16384x32x100xf32, #tpu.memory_space<hbm>> -> memref<8x32x100xf32, #tpu.memory_space<hbm>>
        %dma_start3A_78 = arith.constant 0 : i32
        %dma_start3A_79 = arith.constant 0 : i32
        %dma_start3A_80 = tpu.memref_slice %arg4[%add3A_64, %dma_start3A_78, %dma_start3A_79] : memref<16384x32x100xf32, #tpu.memory_space<hbm>> -> memref<8x32x100xf32, #tpu.memory_space<hbm>>
        tpu.enqueue_dma source(%arg8 : memref<8x32x100xf32, #tpu.memory_space<vmem>>) target(%dma_start3A_80 : memref<8x32x100xf32, #tpu.memory_space<hbm>>) target_semaphore(%run_scoped3A : memref<!tpu.dma_semaphore, #tpu.memory_space<semaphore_mem>>)
        %dma_wait3A_81 = arith.constant 0 : i32
        %dma_wait3A_82 = arith.constant 0 : i32
        %dma_wait3A_83 = tpu.memref_slice %arg4[%add3A_64, %dma_wait3A_81, %dma_wait3A_82] : memref<16384x32x100xf32, #tpu.memory_space<hbm>> -> memref<8x32x100xf32, #tpu.memory_space<hbm>>
        %dma_wait3A_84 = arith.constant 0 : i32
        %dma_wait3A_85 = arith.constant 0 : i32
        %dma_wait3A_86 = tpu.memref_slice %arg4[%add3A_64, %dma_wait3A_84, %dma_wait3A_85] : memref<16384x32x100xf32, #tpu.memory_space<hbm>> -> memref<8x32x100xf32, #tpu.memory_space<hbm>>
        tpu.wait_dma2 semaphore(%run_scoped3A : memref<!tpu.dma_semaphore, #tpu.memory_space<semaphore_mem>>) src(%arg8 : memref<8x32x100xf32, #tpu.memory_space<vmem>>) dst(%dma_wait3A_86 : memref<8x32x100xf32, #tpu.memory_space<hbm>>)
        tpu.yield
      }) : () -> ()
      %add3A_65 = arith.constant 1 : i32
      %add3A_66 = arith.addi %mul3A_34, %add3A_65 : i32
      %add3A_67 = arith.constant 2 : i32
      %add3A_68 = arith.addi %add3A_66, %add3A_67 : i32
      %mul3A_69 = arith.constant 800 : i32
      %mul3A_70 = arith.muli %add3A_68, %mul3A_69 : i32
      %dma_start3A_71 = tpu.memref_slice %arg5[%mul3A_70] : memref<51200xi32, #tpu.memory_space<vmem>> -> memref<800xi32, #tpu.memory_space<vmem>>
      %dma_start3A_72 = arith.constant 0 : i32
      %dma_start3A_73 = arith.constant 0 : i32
      %dma_start3A_74 = tpu.memref_slice %arg3[%dma_start3A_72, %dma_start3A_73] : memref<1000000x32xf32, #tpu.memory_space<hbm>> -> memref<1000000x32xf32, #tpu.memory_space<hbm>>
      tpu.enqueue_indirect_dma source(%dma_start3A_74 : memref<1000000x32xf32, #tpu.memory_space<hbm>>) target(%arg7 : memref<800x32xf32, #tpu.memory_space<vmem>>) offsets(%dma_start3A_71 : memref<800xi32, #tpu.memory_space<vmem>>) semaphore(%arg10 : memref<!tpu.dma_semaphore, #tpu.memory_space<semaphore_mem>>)
    }
    %scan3A_18 = arith.constant 31 : i32
    %dma_wait3A = arith.constant 0 : i32
    %dma_wait3A_19 = tpu.memref_slice %arg5[%dma_wait3A] : memref<51200xi32, #tpu.memory_space<vmem>> -> memref<800xi32, #tpu.memory_space<vmem>>
    %dma_wait3A_20 = arith.constant 0 : i32
    %dma_wait3A_21 = arith.constant 0 : i32
    %dma_wait3A_22 = tpu.memref_slice %arg3[%dma_wait3A_20, %dma_wait3A_21] : memref<1000000x32xf32, #tpu.memory_space<hbm>> -> memref<1000000x32xf32, #tpu.memory_space<hbm>>
    tpu.wait_indirect_dma semaphore(%arg9 : memref<!tpu.dma_semaphore, #tpu.memory_space<semaphore_mem>>) src(%dma_wait3A_22 : memref<1000000x32xf32, #tpu.memory_space<hbm>>) dst(%arg6 : memref<800x32xf32, #tpu.memory_space<vmem>>)
    %add3A_23 = arith.constant 496 : i32
    %add3A_24 = arith.addi %mul3A_4, %add3A_23 : i32
    "tpu.region"() ({
      %run_scoped3A = tpu.sem_alloc : memref<!tpu.dma_semaphore, #tpu.memory_space<semaphore_mem>>
      %dma_start3A_32 = arith.constant 0 : i32
      %dma_start3A_33 = arith.constant 0 : i32
      %dma_start3A_34 = tpu.memref_slice %arg4[%add3A_24, %dma_start3A_32, %dma_start3A_33] : memref<16384x32x100xf32, #tpu.memory_space<hbm>> -> memref<8x32x100xf32, #tpu.memory_space<hbm>>
      %dma_start3A_35 = arith.constant 0 : i32
      %dma_start3A_36 = arith.constant 0 : i32
      %dma_start3A_37 = tpu.memref_slice %arg4[%add3A_24, %dma_start3A_35, %dma_start3A_36] : memref<16384x32x100xf32, #tpu.memory_space<hbm>> -> memref<8x32x100xf32, #tpu.memory_space<hbm>>
      tpu.enqueue_dma source(%arg8 : memref<8x32x100xf32, #tpu.memory_space<vmem>>) target(%dma_start3A_37 : memref<8x32x100xf32, #tpu.memory_space<hbm>>) target_semaphore(%run_scoped3A : memref<!tpu.dma_semaphore, #tpu.memory_space<semaphore_mem>>)
      %dma_wait3A_38 = arith.constant 0 : i32
      %dma_wait3A_39 = arith.constant 0 : i32
      %dma_wait3A_40 = tpu.memref_slice %arg4[%add3A_24, %dma_wait3A_38, %dma_wait3A_39] : memref<16384x32x100xf32, #tpu.memory_space<hbm>> -> memref<8x32x100xf32, #tpu.memory_space<hbm>>
      %dma_wait3A_41 = arith.constant 0 : i32
      %dma_wait3A_42 = arith.constant 0 : i32
      %dma_wait3A_43 = tpu.memref_slice %arg4[%add3A_24, %dma_wait3A_41, %dma_wait3A_42] : memref<16384x32x100xf32, #tpu.memory_space<hbm>> -> memref<8x32x100xf32, #tpu.memory_space<hbm>>
      tpu.wait_dma2 semaphore(%run_scoped3A : memref<!tpu.dma_semaphore, #tpu.memory_space<semaphore_mem>>) src(%arg8 : memref<8x32x100xf32, #tpu.memory_space<vmem>>) dst(%dma_wait3A_43 : memref<8x32x100xf32, #tpu.memory_space<hbm>>)
      tpu.yield
    }) : () -> ()
    %dma_wait3A_25 = arith.constant 0 : i32
    %dma_wait3A_26 = tpu.memref_slice %arg5[%dma_wait3A_25] : memref<51200xi32, #tpu.memory_space<vmem>> -> memref<800xi32, #tpu.memory_space<vmem>>
    %dma_wait3A_27 = arith.constant 0 : i32
    %dma_wait3A_28 = arith.constant 0 : i32
    %dma_wait3A_29 = tpu.memref_slice %arg3[%dma_wait3A_27, %dma_wait3A_28] : memref<1000000x32xf32, #tpu.memory_space<hbm>> -> memref<1000000x32xf32, #tpu.memory_space<hbm>>
    tpu.wait_indirect_dma semaphore(%arg10 : memref<!tpu.dma_semaphore, #tpu.memory_space<semaphore_mem>>) src(%dma_wait3A_29 : memref<1000000x32xf32, #tpu.memory_space<hbm>>) dst(%arg7 : memref<800x32xf32, #tpu.memory_space<vmem>>)
    %add3A_30 = arith.constant 504 : i32
    %add3A_31 = arith.addi %mul3A_4, %add3A_30 : i32
    "tpu.region"() ({
      %run_scoped3A = tpu.sem_alloc : memref<!tpu.dma_semaphore, #tpu.memory_space<semaphore_mem>>
      %dma_start3A_32 = arith.constant 0 : i32
      %dma_start3A_33 = arith.constant 0 : i32
      %dma_start3A_34 = tpu.memref_slice %arg4[%add3A_31, %dma_start3A_32, %dma_start3A_33] : memref<16384x32x100xf32, #tpu.memory_space<hbm>> -> memref<8x32x100xf32, #tpu.memory_space<hbm>>
      %dma_start3A_35 = arith.constant 0 : i32
      %dma_start3A_36 = arith.constant 0 : i32
      %dma_start3A_37 = tpu.memref_slice %arg4[%add3A_31, %dma_start3A_35, %dma_start3A_36] : memref<16384x32x100xf32, #tpu.memory_space<hbm>> -> memref<8x32x100xf32, #tpu.memory_space<hbm>>
      tpu.enqueue_dma source(%arg8 : memref<8x32x100xf32, #tpu.memory_space<vmem>>) target(%dma_start3A_37 : memref<8x32x100xf32, #tpu.memory_space<hbm>>) target_semaphore(%run_scoped3A : memref<!tpu.dma_semaphore, #tpu.memory_space<semaphore_mem>>)
      %dma_wait3A_38 = arith.constant 0 : i32
      %dma_wait3A_39 = arith.constant 0 : i32
      %dma_wait3A_40 = tpu.memref_slice %arg4[%add3A_31, %dma_wait3A_38, %dma_wait3A_39] : memref<16384x32x100xf32, #tpu.memory_space<hbm>> -> memref<8x32x100xf32, #tpu.memory_space<hbm>>
      %dma_wait3A_41 = arith.constant 0 : i32
      %dma_wait3A_42 = arith.constant 0 : i32
      %dma_wait3A_43 = tpu.memref_slice %arg4[%add3A_31, %dma_wait3A_41, %dma_wait3A_42] : memref<16384x32x100xf32, #tpu.memory_space<hbm>> -> memref<8x32x100xf32, #tpu.memory_space<hbm>>
      tpu.wait_dma2 semaphore(%run_scoped3A : memref<!tpu.dma_semaphore, #tpu.memory_space<semaphore_mem>>) src(%arg8 : memref<8x32x100xf32, #tpu.memory_space<vmem>>) dst(%dma_wait3A_43 : memref<8x32x100xf32, #tpu.memory_space<hbm>>)
      tpu.yield
    }) : () -> ()
    return
  }
}

</mosaic_0001>

<sc_bundles>
// kernel: kernel.3.cloned.1.call-start
scs
__scs_entry_jumppad:
0x0: {  	(pc) =	sbr.rel $0x88, $3  }
0x1: {  	(tag) =	ssettag $0x0;
	lr =	simm.s32 $0x1  }
0x2: {  	[smem:$0x3F9F] =	sst lr;
	_ =	strace $0xD0000000  }
0x3: {  	_ = 	snop  }
0x4: {  	_ = 	snop  }
0x5: {  	_ = 	snop  }
0x6: {  	_ = 	snop  }
0x7: {  	_ = 	snop  }
__scs_overlays_trampoline_lowered:
0x8: {  	[smem:$0x3FAE] =	sst s0  }
0x9: {  	[smem:$0x3FAF] =	sst s1  }
0xa: {  	[smem:$0x3FB0] =	sst s2  }
0xb: {  	[smem:$0x3FB1] =	sst s3  }
0xc: {  	[smem:$0x3FB2] =	sst s4  }
0xd: {  	[smem:$0x3FB3] =	sst s5  }
0xe: {  	[smem:$0x3FB4] =	sst s6  }
0xf: {  	[smem:$0x3FB5] =	sst s7  }
0x10: {  	[smem:$0x3FB6] =	sst s8  }
0x11: {  	[smem:$0x3FB7] =	sst s9;
	s0 =	simm.s32 @!p0 $0x0  }
0x12: {  	s1 =	sld [smem:$0x3F9D];
	s0 =	simm.s32 @p0 $0x1  }
0x13: {  	[smem:$0x3FB8] =	sst s0;
	s0 =	simm.s32 @!p1 $0x0  }
0x14: {  	s2 =	sld [smem:$0x3F9C];
	s0 =	simm.s32 @p1 $0x1  }
0x15: {  	[smem:$0x3FB9] =	sst s0;
	s0 =	simm.s32 @!p2 $0x0  }
0x16: {  	s3 =	sld [smem:$0x3FDB];
	s0 =	simm.s32 @p2 $0x1  }
0x17: {  	s4 =	simm.s32 $0x1BF5;
	[smem:$0x3FBB] =	sst s0  }
0x18: {  	s0 =	sld [smem:$0x3F9E];
	_ =	swait.ge [sflag:s4], $0x0  }
0x19: {  	s7 =	sld [smem:$0x3F9F]  }
0x1a: {  	s8 =	sadd.s32 $0xFFFFE003, lr  }
0x1b: {  	s9 =	sadd.s32 $0xFFFFFEF7, lr;
	s5 =	simm.s32 $0xFFFFFFFF;
	p2 =	slt.u32 s8, $0xFFFFF086  }
0x1c: {  	p1 =	slt.u32 s9, $0xF7A;
	s5 =	simm.s32 @!p2 $0x0  }
0x1d: {  	s5 =	simm.s32 @p1 $0x1;
	p0 =	seq.s32 s7, s2  }
0x1e: {  	s7 =	smul.u32 @!p0 $0xF7A, s2;
	p2 =	seq.s32 @!p0 s5, $0x0  }
0x1f: {  	s9 =	smul.u32 $0xF7A, s1;
	s8 =	simm.s32 @!p0 $0x1BF5;
	p2 =	por !p2, p0  }
0x20: {  	[sflag:s8] =	ssyncset.s32 @!p0 $0xFFFFF086;
	s6 =	sadd.s32 @!p0 s3, s7;
	s7 =	simm.s32 @!p0 $0x108  }
0x21: {  	s3 =	sadd.s32 s3, s9;
	s6 =	sadd.s32 @!p0 $0x88, s6;
	s7 =	simm.s32 @p2 $0x1082  }
0x22: {  	[simem:s7], [sflag:s8] =	dma.local @!p0 [hbm:s6], $0xF7A  }
0x23: {  	s9 =	sor.u32 $0xD0000000, s2;
	s6 =	simm.s32 $0x108;
	_ =	swait.ge @!p0 [sflag:s8], $0x0  }
0x24: {  	s3 =	sadd.s32 $0x88, s3;
	s6 =	simm.s32 @!p1 $0x1082;
	[sflag:s4] =	ssyncset.s32 $0xFFFFF086  }
0x25: {  	[simem:s6], [sflag:s4] =	dma.local [hbm:s3], $0xF7A  }
0x26: {  	[smem:$0x3F9F] =	sst s1;
	(tag) =	ssettag s2;
	_ =	strace s9  }
0x27: {  	s1 =	sld [smem:$0x3FAF]  }
0x28: {  	s2 =	sld [smem:$0x3FB0]  }
0x29: {  	s4 =	sld [smem:$0x3FB2]  }
0x2a: {  	p0 =	seq.s32 s5, $0x0;
	s5 =	sld [smem:$0x3FB3]  }
0x2b: {  	s6 =	sld [smem:$0x3FB4]  }
0x2c: {  	s7 =	sld [smem:$0x3FB5]  }
0x2d: {  	s3 =	simm.s32 $0x108;
	s8 =	sld [smem:$0x3FB6]  }
0x2e: {  	s3 =	simm.s32 @!p0 $0x1082;
	s9 =	sld [smem:$0x3FB7]  }
0x2f: {  	lr =	sadd.s32 s0, s3;
	s0 =	sld [smem:$0x3FAE]  }
0x30: {  	s3 =	sld [smem:$0x3FB1]  }
0x31: {  	[smem:$0x3FBA] =	sst s10  }
0x32: {  	s10 =	sld [smem:$0x3FB8];
	_ =	sdelay $0x3  }
0x33: {  	p0 =	seq.s32 s10, $0x1;
	s10 =	sld [smem:$0x3FBA];
	_ =	sdelay $0x3  }
0x34: {  	[smem:$0x3FBA] =	sst s10  }
0x35: {  	s10 =	sld [smem:$0x3FB9];
	_ =	sdelay $0x3  }
0x36: {  	p1 =	seq.s32 s10, $0x1;
	s10 =	sld [smem:$0x3FBA];
	_ =	sdelay $0x3  }
0x37: {  	[smem:$0x3FBA] =	sst s10  }
0x38: {  	s10 =	sld [smem:$0x3FBB]  }
0x39: {  	_ = 	snop;
	(pc) =	sbr.ind lr, $3  }
0x3a: {  	_ = 	snop  }
0x3b: {  	_ = 	snop  }
0x3c: {  	p2 =	seq.s32 s10, $0x1;
	s10 =	sld [smem:$0x3FBA]  }
0x3d: {  	_ =	shalt  }
0x3e: {  	_ =	shalt  }
0x3f: {  	_ =	shalt  }
0x40: {  	_ =	shalt  }
0x41: {  	_ =	shalt  }
0x42: {  	_ =	shalt  }
0x43: {  	_ =	shalt  }
0x44: {  	_ =	shalt  }
0x45: {  	_ =	shalt  }
0x46: {  	_ =	shalt  }
0x47: {  	_ =	shalt  }
0x48: {  	_ =	shalt  }
0x49: {  	_ =	shalt  }
0x4a: {  	_ =	shalt  }
0x4b: {  	_ =	shalt  }
0x4c: {  	_ =	shalt  }
0x4d: {  	_ =	shalt  }
0x4e: {  	_ =	shalt  }
0x4f: {  	_ =	shalt  }
0x50: {  	_ =	shalt  }
0x51: {  	_ =	shalt  }
0x52: {  	_ =	shalt  }
0x53: {  	_ =	shalt  }
0x54: {  	_ =	shalt  }
0x55: {  	_ =	shalt  }
0x56: {  	_ =	shalt  }
0x57: {  	_ =	shalt  }
0x58: {  	_ =	shalt  }
0x59: {  	_ =	shalt  }
0x5a: {  	_ =	shalt  }
0x5b: {  	_ =	shalt  }
0x5c: {  	_ =	shalt  }
0x5d: {  	_ =	shalt  }
0x5e: {  	_ =	shalt  }
0x5f: {  	_ =	shalt  }
0x60: {  	_ =	shalt  }
0x61: {  	_ =	shalt  }
0x62: {  	_ =	shalt  }
0x63: {  	_ =	shalt  }
0x64: {  	_ =	shalt  }
0x65: {  	_ =	shalt  }
0x66: {  	_ =	shalt  }
0x67: {  	_ =	shalt  }
0x68: {  	_ =	shalt  }
0x69: {  	_ =	shalt  }
0x6a: {  	_ =	shalt  }
0x6b: {  	_ =	shalt  }
0x6c: {  	_ =	shalt  }
0x6d: {  	_ =	shalt  }
0x6e: {  	_ =	shalt  }
0x6f: {  	_ =	shalt  }
0x70: {  	_ =	shalt  }
0x71: {  	_ =	shalt  }
0x72: {  	_ =	shalt  }
0x73: {  	_ =	shalt  }
0x74: {  	_ =	shalt  }
0x75: {  	_ =	shalt  }
0x76: {  	_ =	shalt  }
0x77: {  	_ =	shalt  }
0x78: {  	_ =	shalt  }
0x79: {  	_ =	shalt  }
0x7a: {  	_ =	shalt  }
0x7b: {  	_ =	shalt  }
0x7c: {  	_ =	shalt  }
0x7d: {  	_ =	shalt  }
0x7e: {  	_ =	shalt  }
0x7f: {  	_ =	shalt  }
0x80: {  	_ =	shalt  }
0x81: {  	_ =	shalt  }
0x82: {  	_ =	shalt  }
0x83: {  	_ =	shalt  }
0x84: {  	_ =	shalt  }
0x85: {  	_ =	shalt  }
0x86: {  	_ =	shalt  }
0x87: {  	_ =	shalt  }
.Lfunc_end0:
.L_simem_size_0:
called_computation.1_lowered:
.L_overlay_start_0:
0x88: {  	s2 =	sld [smem:$0x3FD9]  }
0x89: {  	s3 =	sld [smem:$0x3FFE];
	_ =	sdelay $0x1  }
0x8a: {  	s1 =	srdreg.scid  }
0x8b: {  	s0 =	sand.u32 $0x1, s1  }
0x8c: {  	s17 =	sshll.u32 s0, $0xA;
	s2 =	sadd.s32 s3, s2  }
0x8d: {  	s2 =	sadd.s32 s2, s17  }
0x8e: {  	[smem:$0x3FC6] =	sst s2  }
0x8f: {  	_ = 	snop  }
0x90: {  	s2 =	sld [smem:$0x3FD0];
	(tm) =	ssettm $0x1  }
0x91: {  	s18 =	sld [smem:$0x3FFB];
	_ =	sdelay $0x3  }
0x92: {  	_ =	strace s18  }
0x93: {  	s3 =	sld [smem:$0x3FFC];
	_ =	sdelay $0x3  }
0x94: {  	_ =	strace s3  }
0x95: {  	s3 =	sld [smem:$0x3FFD];
	_ =	sdelay $0x3  }
0x96: {  	_ =	strace s3  }
0x97: {  	_ =	strace $0x8FFFFFFF  }
0x98: {  	s19 =	sld [smem:$0x3FDB];
	_ =	sdelay $0x1  }
0x99: {  	s4 =	simm.s32 $_scs_section_size  }
0x9a: {  	s5 =	simm.s32 $_size__tile_overlayer_lowered;
	s6 =	simm.s32 $_tile_overlayer_lowered  }
0x9b: {  	s22 =	simm.s32 $0x1BFF;
	s21 =	sshll.u32 s6, $0x1;
	s3 =	sadd.s32 s4, s19  }
0x9c: {  	s7 =	simm.s32 $0x0;
	s20 =	sshll.u32 s5, $0x1;
	s5 =	sadd.s32 s21, s3  }
0x9d: {  	[timem:s7], [sflag:s22] =	dma.local [hbm:s5], s20  }
0x9e: {  	_ =	swait.ge [sflag:s22], s20  }
0x9f: {  	s4 =	ssub.s32 $0x0, s20;
	[sflag:s22] =	ssyncset.done $0x0  }
0xa0: {  	[sflag:s22] =	ssyncadd.s32 s4;
	_ =	sdelay $0x1  }
0xa1: {  	s23 =	simm.s32 $0x1B8B  }
0xa2: {  	_ =	swait.ge [sflag:s23], $0x1  }
0xa3: {  	[sflag:s23] =	ssyncset.done $0x0  }
0xa4: {  	s25 =	simm.s32 $0x1B8E;
	s24 =	sld [smem:$0x3FFE];
	[sflag:s23] =	ssyncadd.s32 $0xFFFFFFFF  }
0xa5: {  	s26 =	simm.s32 $execute0_lowered;
	[smem:$0x3FD2] =	sst s25  }
0xa6: {  	s5 =	sshll.u32 s26, $0x1;
	_ =	strace $0x80000046;
	[dreg:$0x1] =	wrdreg $0xFFFFFFFF  }
0xa7: {  	s28 =	simm.s32 $_size_execute0_lowered;
	s3 =	sadd.s32 s3, s5;
	[dreg:$0x0] =	wrdreg $0x0  }
0xa8: {  	s5 =	sshll.u32 s28, $0x1;
	[dreg:$0x2] =	wrdreg s3  }
0xa9: {  	[dreg:$0x3] =	wrdreg s5  }
0xaa: {  	[dreg:$0x4] =	wrdreg $0xC0  }
0xab: {  	_ =	task [dreg:s7], $0x5FFFF  }
0xac: {  	[dreg:$0x1] =	wrdreg $0xFFFFFFFF  }
0xad: {  	[dreg:$0x0] =	wrdreg $0x60  }
0xae: {  	[dreg:$0x2] =	wrdreg s24  }
0xaf: {  	[dreg:$0x3] =	wrdreg s2  }
0xb0: {  	[dreg:$0x4] =	wrdreg $0x9  }
0xb1: {  	_ =	task.clear_ibuf [dreg:s7], $0x5FFFF;
	_ =	strace $0x90000046  }
0xb2: {  	s29 =	simm.s32 $0x9;
	_ =	strace $0x80000048  }
0xb3: {  	_ =	swait.ge [sflag:s29], $0x1  }
0xb4: {  	[sflag:s29] =	ssyncadd.s32 $0xFFFFFFFF  }
0xb5: {  	_ =	strace $0x90000048  }
0xb6: {  	_ =	sfence  }
0xb7: {  	s30 =	sld [smem:$0x0];
	_ =	sdelay $0x2  }
0xb8: {  	s31 =	sshll.u32 s1, $0xD;
	s1 =	sshrl.u32 s1, $0x2  }
0xb9: {  	s3 =	sand.u32 $0x4000, s31;
	s1 =	sadd.s32 s1, s30  }
0xba: {  	s0 =	sor.u32 s3, s0;
	s1 =	sshll.u32 s1, $0x11  }
0xbb: {  	s0 =	sor.u32 s1, s0  }
0xbc: {  	s0 =	sadd.s32 $0x8F2B, s0  }
0xbd: {  	[sflag:s0] =	ssyncadd.remote.s32 $0x1  }
0xbe: {  	_ =	sfence.sel $0xFFFF  }
0xbf: {  	[dreg:$0x0] =	wrdreg $0xFFFFFFFF;
	(pc) =	sbr.abs _section_cstart, $3  }
0xc0: {  	[dreg:$0x1] =	wrdreg $0xFFFFFFFF  }
0xc1: {  	_ =	task.clear_ibuf [dreg:s7], $0x2FFFF;
	_ =	strace $0x9FFFFFFF  }
0xc2: {  	(tm) =	ssettm $0x7FFFFFFF  }
0xc3: {  	_ =	shalt  }
tec
execute0_lowered:
.L_overlay_start_1:
0x0: {  	(tag) =	ssettag $0x1  }
0x1: {  	s1 =	srdreg.scid  }
0x2: {  	s0 =	stileid.u32;
	s4 =	rddreg [dreg:$0x0]  }
0x3: {  	s2 =	rddreg [dreg:$0x1];
	s3 =	simm.s32 $0x0;
	s13 =	simm.s32 $0x1  }
0x4: {  	s14 =	simm.s32 $0x19000;
	s15 =	simm.s32 $0x2;
	s16 =	simm.s32 $0x0  }
0x5: {  	s6 =	sand.u32 $0x1, s1;
	s29 =	sshll.u32 s0, $0x1;
	s11 =	smul.u32 $0x68000, s0  }
0x6: {  	s1 =	rddreg [dreg:$0x2];
	s5 =	sor.u32 s6, s29;
	s12 =	smul.u32 $0x34000, s6  }
0x7: {  	[smem:$0x7FF] =	sst s3;
	s9 =	sadd.s32 $0x32A00, s4;
	s7 =	smul.u32 $0x1900, s5  }
0x8: {  	_ =	strace $0x80000047;
	s8 =	ssub.s32 $0x2, s6;
	s5 =	smul.u32 $0x1A0000, s5  }
0x9: {  	s30 =	sshrl.u32 s8, $0x1;
	s31 =	sadd.s32 s11, s9;
	s11 =	simm.s32 $0xC800  }
0xa: {  	s8 =	ssub.s32 s8, s30;
	s7 =	sadd.s32 s7, s4;
	s5 =	sshrl.u32 s5, $0x3  }
0xb: {  	s10 =	sadd.s32 s9, s5;
	s4 =	sadd.s32 $0xA00, s7;
	s7 =	smax.u32 s8, $0x1  }
0xc: {  	s8 =	sadd.s32 s12, s31;
	s9 =	simm.s32 $0x3;
	s12 =	simm.s32 $0x12C00  }
0xd: {  	s5 =	sadd.s32 $0x32600, s10;
	s6 =	sadd.s32 $0x33300, s10;
	s10 =	simm.s32 $0x320  }
.LBB2_1:
0xe: {  	[tilespmem:s3], [sflag:$0x3] =	stream.linear.gather [hbm4b:s4+s3], $0xC800, $0x38;
	[tilespmem:$0x1F800] =	vst v63  }
0xf: {  	_ =	swait.ge [sflag:s9], $0xC800  }
0x10: {  	[sflag:s9] =	ssyncset.done $0x0  }
0x11: {  	[sflag:s9] =	ssyncadd.s32 $0xFFFF3800  }
0x12: {  	[tilespmem:s11], [sflag:$0x1] =	stream.indirect.gather [hbm4b:s2+s10], $0x20, s3, s10, $0xb8;
	[tilespmem:$0x1F800] =	vst v63  }
0x13: {  	_ = 	snop  }
0x14: {  	[tilespmem:s12], [sflag:$0x2] =	stream.indirect.gather [hbm4b:s2+s10], $0x20, s10, s10, $0xb8;
	[tilespmem:$0x1F800] =	vst v63  }
0x15: {  	_ =	swait.ge [sflag:s13], $0x6400  }
0x16: {  	[sflag:s13] =	ssyncset.done $0x0  }
0x17: {  	s17 =	sadd.s32 $0x0, s8;
	[sflag:s13] =	ssyncadd.s32 $0xFFFF9C00  }
0x18: {  	[hbm4b:s17+s3] =	stream.linear.scatter [tilespmem:s14], [sflag:$0x3], $0x6800, $0x38;
	[tilespmem:$0x1F800] =	vst v63  }
0x19: {  	_ =	swait.ge [sflag:s9], $0x6800  }
0x1a: {  	[sflag:s9] =	ssyncset.done $0x0  }
0x1b: {  	s18 =	simm.s32 $0x640;
	[sflag:s9] =	ssyncadd.s32 $0xFFFF9800  }
0x1c: {  	[tilespmem:s11], [sflag:$0x1] =	stream.indirect.gather [hbm4b:s2+s10], $0x20, s18, s10, $0xb8;
	[tilespmem:$0x1F800] =	vst v63  }
0x1d: {  	_ =	swait.ge [sflag:s15], $0x6400  }
0x1e: {  	[sflag:s15] =	ssyncset.done $0x0  }
0x1f: {  	s17 =	sadd.s32 $0xD00, s17;
	[sflag:s15] =	ssyncadd.s32 $0xFFFF9C00  }
0x20: {  	[hbm4b:s17+s3] =	stream.linear.scatter [tilespmem:s14], [sflag:$0x3], $0x6800, $0x38;
	[tilespmem:$0x1F800] =	vst v63  }
0x21: {  	_ =	swait.ge [sflag:s9], $0x6800  }
0x22: {  	s19 =	simm.s32 $0xFA0;
	[sflag:s9] =	ssyncset.done $0x0  }
0x23: {  	s18 =	simm.s32 $0x1A00;
	s17 =	simm.s32 $0x960;
	[sflag:s9] =	ssyncadd.s32 $0xFFFF9800  }
.LBB2_2:
0x24: {  	[tilespmem:s12], [sflag:$0x2] =	stream.indirect.gather [hbm4b:s2+s10], $0x20, s17, s10, $0xb8;
	[tilespmem:$0x1F800] =	vst v63  }
0x25: {  	s20 =	smov.u32 s18;
	s17 =	smov.u32 s19  }
0x26: {  	p0 =	sne.s32 s18, $0x30C00;
	s18 =	sadd.s32 $0x1A00, s18;
	_ =	swait.ge [sflag:s13], $0x6400  }
0x27: {  	[sflag:s13] =	ssyncset.done $0x0  }
0x28: {  	s20 =	sadd.s32 s20, s8;
	[sflag:s13] =	ssyncadd.s32 $0xFFFF9C00  }
0x29: {  	[hbm4b:s20+s3] =	stream.linear.scatter [tilespmem:s14], [sflag:$0x3], $0x6800, $0x38;
	[tilespmem:$0x1F800] =	vst v63  }
0x2a: {  	_ =	swait.ge [sflag:s9], $0x6800  }
0x2b: {  	[sflag:s9] =	ssyncset.done $0x0  }
0x2c: {  	s21 =	sadd.s32 $0xFFFFFCE0, s19;
	[sflag:s9] =	ssyncadd.s32 $0xFFFF9800  }
0x2d: {  	[tilespmem:s11], [sflag:$0x1] =	stream.indirect.gather [hbm4b:s2+s10], $0x20, s21, s10, $0xb8;
	[tilespmem:$0x1F800] =	vst v63  }
0x2e: {  	_ =	swait.ge [sflag:s15], $0x6400  }
0x2f: {  	[sflag:s15] =	ssyncset.done $0x0  }
.Ltmp0:
0x30: {  	s20 =	sadd.s32 $0xD00, s20;
	[sflag:s15] =	ssyncadd.s32 $0xFFFF9C00;
	(pc) =	sbr.rel @p0 .LBB2_2-.Ltmp0, $4  }
0x31: {  	[hbm4b:s20+s3] =	stream.linear.scatter [tilespmem:s14], [sflag:$0x3], $0x6800, $0x38;
	[tilespmem:$0x1F800] =	vst v63  }
0x32: {  	_ =	swait.ge [sflag:s9], $0x6800  }
0x33: {  	[sflag:s9] =	ssyncset.done $0x0  }
0x34: {  	s19 =	sadd.s32 $0x640, s19;
	[sflag:s9] =	ssyncadd.s32 $0xFFFF9800  }
0x35: {  	[tilespmem:s12], [sflag:$0x2] =	stream.indirect.gather [hbm4b:s2+s10], $0x20, s17, s10, $0xb8;
	[tilespmem:$0x1F800] =	vst v63  }
0x36: {  	_ =	swait.ge [sflag:s13], $0x6400  }
0x37: {  	[sflag:s13] =	ssyncset.done $0x0  }
0x38: {  	[sflag:s13] =	ssyncadd.s32 $0xFFFF9C00  }
0x39: {  	[hbm4b:s5+s3] =	stream.linear.scatter [tilespmem:s14], [sflag:$0x3], $0x6800, $0x38;
	[tilespmem:$0x1F800] =	vst v63  }
0x3a: {  	_ =	swait.ge [sflag:s9], $0x6800  }
0x3b: {  	[sflag:s9] =	ssyncset.done $0x0  }
0x3c: {  	[sflag:s9] =	ssyncadd.s32 $0xFFFF9800  }
0x3d: {  	s16 =	sadd.s32 $0x1, s16;
	_ =	swait.ge [sflag:s15], $0x6400  }
0x3e: {  	p0 =	sne.s32 s16, s7;
	[sflag:s15] =	ssyncset.done $0x0  }
.Ltmp1:
0x3f: {  	[sflag:s15] =	ssyncadd.s32 $0xFFFF9C00;
	(pc) =	sbr.rel @p0 .LBB2_1-.Ltmp1, $4  }
0x40: {  	[hbm4b:s6+s3] =	stream.linear.scatter [tilespmem:s14], [sflag:$0x3], $0x6800, $0x38;
	[tilespmem:$0x1F800] =	vst v63  }
0x41: {  	_ =	swait.ge [sflag:s9], $0x6800  }
0x42: {  	[sflag:s9] =	ssyncset.done $0x0  }
0x43: {  	[sflag:s9] =	ssyncadd.s32 $0xFFFF9800  }
0x44: {  	_ =	sfence.sel $0x180000  }
0x45: {  	[bflag:$0x0] =	sbarrier.arrive $0xFFFF  }
0x46: {  	p0 =	sne.s32 s0, $0x0;
	_ =	strace $0x90000047  }
0x47: {  	s0 =	sadd.s32 @!p0 $0x100000, s1;
	[bflag:$0x2] =	sbarrier.arrive $0xFFFF  }
0x48: {  	[sflag:s0] =	ssyncadd.tile.s32 @!p0 $0x1;
	_ =	shalt  }
.Lfunc_end2:
_tile_overlayer_lowered:
.L_overlay_start_2:
0x49: {  	(tag) =	ssettag $0x2  }
0x4a: {  	s0 =	rddreg [dreg:$0x0];
	s2 =	stileid.u32  }
0x4b: {  	s1 =	rddreg [dreg:$0x1];
	p0 =	sne.s32 s2, $0x0  }
0x4c: {  	s3 =	rddreg [dreg:$0x2];
	[bflag:$0x3] =	sbarrier.arrive $0xFFFF;
	s2 =	simm.s32 @!p0 $0x1C03  }
0x4d: {  	[timem:s3], [sflag:s2] =	dma.local @!p0 [hbm:s0], s1  }
0x4e: {  	s0 =	simm.s32 @!p0 $0x3  }
0x4f: {  	_ =	swait.ge @!p0 [sflag:s0], s1  }
0x50: {  	s1 =	ssub.s32 @!p0 $0x0, s1;
	[sflag:s0] =	ssyncset.done @!p0 $0x0  }
0x51: {  	[sflag:s0] =	ssyncadd.s32 @!p0 s1  }
0x52: {  	[bflag:$0x3] =	sbarrier.arrive $0xFFFF  }
0x53: {  	_ =	shalt  }

// kernel: sparse-core-data-format-call.cloned.1.call-start
scs
called_computation_lowered:
.L_overlay_start_0:
0x0: {  	s2 =	sld [smem:$0x3FD9]  }
0x1: {  	s3 =	sld [smem:$0x3FFE];
	_ =	sdelay $0x1  }
0x2: {  	s1 =	srdreg.scid  }
0x3: {  	s0 =	sand.u32 $0x1, s1  }
0x4: {  	s18 =	sshll.u32 s0, $0xA;
	s2 =	sadd.s32 s3, s2  }
0x5: {  	s2 =	sadd.s32 s2, s18  }
0x6: {  	[smem:$0x3FC6] =	sst s2  }
0x7: {  	_ = 	snop  }
0x8: {  	s2 =	sld [smem:$0x3FD0];
	(tm) =	ssettm $0x1  }
0x9: {  	s19 =	sld [smem:$0x3FFB];
	_ =	sdelay $0x3  }
0xa: {  	_ =	strace s19  }
0xb: {  	s3 =	sld [smem:$0x3FFC];
	_ =	sdelay $0x3  }
0xc: {  	_ =	strace s3  }
0xd: {  	s3 =	sld [smem:$0x3FFD];
	_ =	sdelay $0x3  }
0xe: {  	_ =	strace s3  }
0xf: {  	_ =	strace $0x8FFFFFFF  }
0x10: {  	s20 =	sld [smem:$0x3FDB];
	_ =	sdelay $0x1  }
0x11: {  	s4 =	simm.s32 $_scs_section_size  }
0x12: {  	s5 =	simm.s32 $_size__tile_overlayer_lowered;
	s6 =	simm.s32 $_tile_overlayer_lowered  }
0x13: {  	s23 =	simm.s32 $0x1BFF;
	s22 =	sshll.u32 s6, $0x1;
	s3 =	sadd.s32 s4, s20  }
0x14: {  	s7 =	simm.s32 $0x0;
	s21 =	sshll.u32 s5, $0x1;
	s5 =	sadd.s32 s22, s3  }
0x15: {  	[timem:s7], [sflag:s23] =	dma.local [hbm:s5], s21  }
0x16: {  	_ =	swait.ge [sflag:s23], s21  }
0x17: {  	s4 =	ssub.s32 $0x0, s21;
	[sflag:s23] =	ssyncset.done $0x0  }
0x18: {  	[sflag:s23] =	ssyncadd.s32 s4;
	_ =	sdelay $0x1  }
0x19: {  	s24 =	simm.s32 $0x1B8B  }
0x1a: {  	_ =	swait.ge [sflag:s24], $0x1  }
0x1b: {  	[sflag:s24] =	ssyncset.done $0x0  }
0x1c: {  	s26 =	simm.s32 $0x1B8E;
	s25 =	sld [smem:$0x3FFE];
	[sflag:s24] =	ssyncadd.s32 $0xFFFFFFFF  }
0x1d: {  	s27 =	simm.s32 $execute0_lowered;
	[smem:$0x3FD2] =	sst s26  }
0x1e: {  	s5 =	sshll.u32 s27, $0x1;
	_ =	strace $0x80000049;
	[dreg:$0x1] =	wrdreg $0xFFFFFFFF  }
0x1f: {  	s28 =	simm.s32 $_size_execute0_lowered;
	s3 =	sadd.s32 s3, s5;
	[dreg:$0x0] =	wrdreg $0x0  }
0x20: {  	s5 =	sshll.u32 s28, $0x1;
	[dreg:$0x2] =	wrdreg s3  }
0x21: {  	[dreg:$0x3] =	wrdreg s5  }
0x22: {  	[dreg:$0x4] =	wrdreg $0xC0  }
0x23: {  	_ =	task [dreg:s7], $0x5FFFF  }
0x24: {  	[dreg:$0x1] =	wrdreg $0xFFFFFFFF  }
0x25: {  	[dreg:$0x0] =	wrdreg $0x60  }
0x26: {  	[dreg:$0x2] =	wrdreg s25  }
0x27: {  	[dreg:$0x3] =	wrdreg s2  }
0x28: {  	[dreg:$0x4] =	wrdreg $0x9  }
0x29: {  	_ =	task.clear_ibuf [dreg:s7], $0x5FFFF;
	_ =	strace $0x90000049  }
0x2a: {  	s29 =	simm.s32 $0x9;
	_ =	strace $0x8000004B  }
0x2b: {  	_ =	swait.ge [sflag:s29], $0x1  }
0x2c: {  	[sflag:s29] =	ssyncadd.s32 $0xFFFFFFFF  }
0x2d: {  	_ =	strace $0x9000004B  }
0x2e: {  	_ =	sfence  }
0x2f: {  	s30 =	sld [smem:$0x0];
	_ =	sdelay $0x2  }
0x30: {  	s31 =	sshll.u32 s1, $0xD;
	s1 =	sshrl.u32 s1, $0x2  }
0x31: {  	s3 =	sand.u32 $0x4000, s31;
	s1 =	sadd.s32 s1, s30  }
0x32: {  	s0 =	sor.u32 s3, s0;
	s1 =	sshll.u32 s1, $0x11  }
0x33: {  	s0 =	sor.u32 s1, s0  }
0x34: {  	s0 =	sadd.s32 $0x8F2B, s0  }
0x35: {  	[sflag:s0] =	ssyncadd.remote.s32 $0x1  }
0x36: {  	_ =	sfence.sel $0xFFFF  }
0x37: {  	[dreg:$0x0] =	wrdreg $0xFFFFFFFF;
	(pc) =	sbr.abs _section_cstart, $3  }
0x38: {  	[dreg:$0x1] =	wrdreg $0xFFFFFFFF  }
0x39: {  	_ =	task.clear_ibuf [dreg:s7], $0x2FFFF;
	_ =	strace $0x9FFFFFFF  }
0x3a: {  	(tm) =	ssettm $0x7FFFFFFF  }
0x3b: {  	_ =	shalt  }
tec
execute0_lowered:
.L_overlay_start_1:
0x0: {  	(tag) =	ssettag $0x1  }
0x1: {  	s0 =	srdreg.scid;
	s5 =	rddreg [dreg:$0x0]  }
0x2: {  	s3 =	rddreg [dreg:$0x1];
	s1 =	sshll.u32 s0, $0x4  }
0x3: {  	s7 =	simm.s32 $0x1;
	s0 =	stileid.u32;
	s1 =	sand.u32 $0x10, s1  }
0x4: {  	s8 =	simm.s32 $0x2;
	s15 =	simm.s32 $0x0;
	s1 =	sor.u32 s0, s1  }
0x5: {  	s14 =	simm.s32 $0x0;
	s9 =	simm.s32 $0x0;
	s2 =	sshll.u32 s1, $0x7  }
0x6: {  	s10 =	simm.s32 $0x0;
	s11 =	simm.s32 $0x0;
	s6 =	ssub.s32 $0x4000, s2  }
0x7: {  	s13 =	simm.s32 $0x0;
	s5 =	sadd.s32 $0xEB2A00, s5;
	s4 =	sand.u32 $0xF80, s6  }
.Ltmp0:
0x8: {  	s1 =	rddreg [dreg:$0x2];
	p0 =	sne.s32 s4, $0x0;
	(pc) =	sbr.rel .LBB1_1-.Ltmp0, $4  }
0x9: {  	_ =	strace $0x8000004A;
	s6 =	sshrl.u32 s6, $0xC;
	s7 =	simm.s32 @!p0 $0x0  }
0xa: {  	s12 =	smov.u32 s2;
	s4 =	simm.s32 $0x1;
	s6 =	sadd.s32 s7, s6  }
0xb: {  	[sflag:s4] =	ssyncpa.u1 $0x0;
	p0 =	por $0x0, $0x0;
	s6 =	sshll.u32 s6, $0x5  }
0xc: {  	[sflag:s8] =	ssyncpa.u1 $0x0;
	s8 =	simm.s32 $0x80000;
	s7 =	sor.u32 $0x1, s6  }
.LBB1_4:
0xd: {  	s20 =	sshra.s32 s20, $0x2;
	p1 =	sgt.s32 s9, $0x1F  }
0xe: {  	s21 =	smov.u32 s9;
	s22 =	sshra.s32 s9, $0x1F;
	s29 =	sand.u32 $0x78, s10  }
0xf: {  	v5 =	vld [tilespmem:s17+$0xFFFFFFD0];
	s23 =	sshll.u32 s9, $0xE;
	s30 =	sshra.s32 s10, $0x1F;
	s31 =	sshll.u32 s10, $0x3  }
0x10: {  	[tilespmem:s18+$0x2040 ss:$0x81] =	vst.msk $0xffff, v4;
	v58 =	vld [tilespmem:s17+$0xFFFFFFE0];
	s27 =	sshll.u32 s9, $0x7;
	s19 =	sadd.s32 s20, s19;
	s21 =	simm.s32 @!p1 $0x1F  }
0x11: {  	[tilespmem:s18+$0x2850 ss:$0x81] =	vst.msk $0xffff, v3;
	v59 =	vld [tilespmem:s17+$0xFFFFFFF0];
	s28 =	sand.u32 s22, s9;
	p1 =	sgt.s32 s10, $0x3F80;
	s23 =	sand.u32 $0x60000, s23  }
0x12: {  	[tilespmem:s18+$0x3060 ss:$0x81] =	vst.msk $0xffff, v2;
	v60 =	vld [tilespmem:s17+$0x0];
	s25 =	sand.u32 $0x7FC00, s31;
	s20 =	ssub.s32 s21, s28;
	s21 =	smov.u32 s10  }
0x13: {  	[tilespmem:s18+$0x0 ss:$0x81] =	vst.msk $0xffff, v0;
	v61 =	vld [tilespmem:s17+$0x10];
	s18 =	sand.u32 $0x3C00, s31;
	s24 =	sadd.s32 $0xFFFFFFE1, s20;
	s21 =	simm.s32 @!p1 $0x3F80  }
0x14: {  	v62 =	vld [tilespmem:s17+$0x20];
	[tilespmem:s19+$0x3870 ss:$0x81] =	vst.msk $0xffff, v1;
	s20 =	ssub.s32 $0x20, s20;
	p1 =	sgt.s32 s24, $0x0;
	s24 =	sand.u32 s30, s10  }
0x15: {  	v63 =	vld [tilespmem:s17+$0xFFFFFFC0];
	s17 =	sand.u32 $0x380, s27;
	s20 =	smul.u32 $0x64, s20;
	s21 =	ssub.s32 s21, s24;
	[tilespmem:s19+$0x810 ss:$0x81] =	vst.msk $0xffff, v5  }
0x16: {  	s23 =	sadd.s32 s25, s23;
	s18 =	sor.u32 s29, s18;
	[tilespmem:s19+$0x1020 ss:$0x81] =	vst.msk $0xffff, v58;
	s26 =	sadd.s32 $0xFFFFC080, s21  }
0x17: {  	[tilespmem:s19+$0x1830 ss:$0x81] =	vst.msk $0xffff, v59;
	s20 =	simm.s32 @p1 $0x0;
	s21 =	ssub.s32 $0x4000, s21;
	p1 =	sgt.s32 s26, $0x7F  }
0x18: {  	s28 =	sand.u32 $0x7C000, s23;
	s17 =	sor.u32 s17, s18;
	[tilespmem:s19+$0x2040 ss:$0x81] =	vst.msk $0xffff, v60;
	s21 =	simm.s32 @p1 $0x0  }
0x19: {  	s17 =	sor.u32 s28, s17;
	s30 =	sand.u32 $0x7, s10;
	[tilespmem:s19+$0x2850 ss:$0x81] =	vst.msk $0xffff, v61;
	s29 =	smul.u32 s21, s20  }
0x1a: {  	[tilespmem:s19+$0x3060 ss:$0x81] =	vst.msk $0xffff, v62;
	s17 =	sshrl.u32 s17, $0x3;
	s20 =	sshll.u32 s30, $0x12  }
0x1b: {  	[tilespmem:s19+$0x0 ss:$0x81] =	vst.msk $0xffff, v63;
	s17 =	sadd.s32 s3, s17;
	s31 =	sor.u32 $0x80, s20;
	s18 =	sand.u32 $0x3FFFFFFC, s29  }
0x1c: {  	[hbm4b:s17+s31] =	stream.strided.scatter [tilespmem:s16], [sflag:$0x2], s18, s8, s31, $0x20;
	[tilespmem:$0x10100] =	vst v63  }
.LBB1_5:
0x1d: {  	p1 =	slt.u32 s13, $0x2  }
0x1e: {  	s17 =	smov.u32 s15;
	p2 =	sgt.s32 @!p1 s15, $0x1F;
	s16 =	sshra.s32 @!p1 s15, $0x1F  }
0x1f: {  	p3 =	sgt.s32 @!p1 s14, $0x3F80;
	s18 =	sshra.s32 @!p1 s14, $0x1F;
	p2 =	por !p2, p1  }
0x20: {  	s15 =	sand.u32 @!p1 s16, s15;
	p3 =	por !p3, p1;
	s16 =	smov.u32 s14  }
0x21: {  	s14 =	sand.u32 @!p1 s18, s14;
	s17 =	simm.s32 @p2 $0x1F;
	s16 =	simm.s32 @p3 $0x3F80  }
0x22: {  	s18 =	smov.u32 s12;
	s15 =	ssub.s32 @!p1 s17, s15;
	s14 =	ssub.s32 @!p1 s16, s14  }
0x23: {  	s16 =	sadd.s32 @!p1 $0xFFFFFFE1, s15;
	s15 =	ssub.s32 @!p1 $0x20, s15;
	s17 =	sadd.s32 @!p1 $0xFFFFC080, s14  }
0x24: {  	p2 =	sgt.s32 @!p1 s16, $0x0;
	s15 =	smul.u32 @!p1 $0x64, s15;
	p3 =	sgt.s32 @!p1 s17, $0x7F  }
0x25: {  	s14 =	ssub.s32 @!p1 $0x4000, s14;
	p2 =	por !p2, p1;
	p3 =	por !p3, p1  }
0x26: {  	s16 =	sadd.s32 $0x1, s11;
	s15 =	simm.s32 @!p2 $0x0;
	s14 =	simm.s32 @!p3 $0x0  }
0x27: {  	p2 =	sgt.s32 s16, $0x1F;
	s14 =	smul.u32 @!p1 s14, s15;
	s15 =	sadd.s32 $0x1000, s12  }
0x28: {  	s18 =	smov.u32 @p2 s15  }
0x29: {  	s16 =	simm.s32 @p2 $0x0;
	p2 =	sgt.s32 s18, $0x3FFF  }
0x2a: {  	s18 =	smov.u32 @p2 s2;
	p2 =	sne.s32 s13, s7  }
.Ltmp1:
0x2b: {  	p0 =	por !p0, !p0;
	s17 =	simm.s32 @!p1 $0x2;
	(pc) =	sbr.rel @!p2 .LBB1_6-.Ltmp1, $4  }
0x2c: {  	s15 =	smov.u32 s9;
	s9 =	smov.u32 s11;
	s14 =	sand.u32 @!p1 $0x3FFFFFFC, s14  }
0x2d: {  	s11 =	smov.u32 s16;
	_ =	swait.ge @!p1 [sflag:s17], s14;
	s19 =	ssub.s32 @!p1 $0x0, s14  }
0x2e: {  	s14 =	smov.u32 s10;
	s13 =	sadd.s32 $0x1, s13;
	[sflag:s17] =	ssyncset.done @!p1 $0x0  }
0x2f: {  	s10 =	smov.u32 s12;
	s12 =	smov.u32 s18;
	[sflag:s17] =	ssyncadd.s32 @!p1 s19  }
.LBB1_1:
0x30: {  	p1 =	sge.u32 s13, s6  }
0x31: {  	s31 =	sadd.s32 $0xFFFFFFFF, s13;
	s16 =	sxor.u32 @!p1 $0xFFFFFFFF, s13  }
0x32: {  	s17 =	sshll.u32 @!p1 s12, $0x9;
	s18 =	sshll.u32 @!p1 s11, $0x4;
	s19 =	simm.s32 @!p1 $0x1000  }
0x33: {  	s16 =	sshll.u32 @!p1 s16, $0xE;
	s18 =	sand.u32 @!p1 $0x1F0, s18;
	s17 =	sadd.s32 @!p1 s5, s17  }
0x34: {  	s16 =	sand.u32 @!p1 $0x4000, s16;
	s17 =	sadd.s32 @!p1 s18, s17;
	s18 =	simm.s32 @!p1 $0x80  }
0x35: {  	[tilespmem:s16], [sflag:$0x1] =	stream.strided.gather @!p1 [hbm4b:s17+s18], $0x4000, s19, s18, $0x38;
	[tilespmem:$0x10100] =	vst v63  }
0x36: {  	p1 =	sge.u32 s31, s6  }
.Ltmp2:
0x37: {  	_ = 	snop;
	(pc) =	sbr.rel @p1 .LBB1_5-.Ltmp2, $1  }
0x38: {  	_ =	sdelay $0x3  }
0x39: {  	s16 =	simm.s32 $0x1  }
0x3a: {  	_ =	swait.ge [sflag:s4], $0x4000;
	s16 =	simm.s32 @!p0 $0x0  }
0x3b: {  	[sflag:s4] =	ssyncset.done $0x0;
	s17 =	sshll.u32 s16, $0xE  }
0x3c: {  	[sflag:s4] =	ssyncadd.s32 $0xFFFFC000;
	s17 =	sor.u32 $0x40, s17  }
0x3d: {  	s16 =	smul.u32 $0x10200, s16;
	v0 =	vld [tilespmem:s17+$0x30]  }
0x3e: {  	v1 =	vld [tilespmem:s17+$0xFFFFFFD0]  }
0x3f: {  	s16 =	sshrl.u32 s16, $0x2;
	v5 =	vld [tilespmem:s17+$0xFFFFFFE0]  }
0x40: {  	v6 =	vld [tilespmem:s17+$0xFFFFFFF0];
	s19 =	sor.u32 $0x8000, s16  }
0x41: {  	s31 =	sand.u32 $0x1, s13;
	v4 =	vld [tilespmem:s17+$0x0];
	s18 =	sadd.s32 $0x0, s19  }
0x42: {  	v3 =	vld [tilespmem:s17+$0x10];
	s16 =	smul.u32 $0x10200, s31;
	[tilespmem:s18+$0x3870 ss:$0x81] =	vst.msk $0xffff, v0  }
0x43: {  	v2 =	vld [tilespmem:s17+$0x20];
	[tilespmem:s18+$0x810 ss:$0x81] =	vst.msk $0xffff, v1  }
0x44: {  	s16 =	sshrl.u32 s16, $0x2;
	v0 =	vld [tilespmem:s17+$0xFFFFFFC0];
	[tilespmem:s18+$0x1020 ss:$0x81] =	vst.msk $0xffff, v5;
	s17 =	sadd.s32 $0x80, s17  }
0x45: {  	s20 =	simm.s32 $0x4;
	s21 =	simm.s32 $0x8;
	s16 =	sor.u32 $0x8000, s16;
	[tilespmem:s18+$0x1830 ss:$0x81] =	vst.msk $0xffff, v6;
	v1 =	vld [tilespmem:s17+$0x30]  }
.LBB1_3:
0x46: {  	p1 =	sne.s32 s21, $0x1FC;
	v5 =	vld [tilespmem:s17+$0xFFFFFFD0];
	[tilespmem:s18+$0x2040 ss:$0x81] =	vst.msk $0xffff, v4  }
0x47: {  	v6 =	vld [tilespmem:s17+$0xFFFFFFE0];
	[tilespmem:s18+$0x2850 ss:$0x81] =	vst.msk $0xffff, v3  }
0x48: {  	s22 =	sshra.s32 s20, $0x2;
	s20 =	smov.u32 s21;
	v7 =	vld [tilespmem:s17+$0xFFFFFFF0];
	[tilespmem:s18+$0x3060 ss:$0x81] =	vst.msk $0xffff, v2  }
.Ltmp3:
0x49: {  	v4 =	vld [tilespmem:s17+$0x0];
	[tilespmem:s18+$0x0 ss:$0x81] =	vst.msk $0xffff, v0;
	s18 =	sadd.s32 s22, s19;
	(pc) =	sbr.rel @p1 .LBB1_3-.Ltmp3, $4  }
0x4a: {  	v3 =	vld [tilespmem:s17+$0x10];
	[tilespmem:s18+$0x3870 ss:$0x81] =	vst.msk $0xffff, v1  }
0x4b: {  	[tilespmem:s18+$0x810 ss:$0x81] =	vst.msk $0xffff, v5;
	v2 =	vld [tilespmem:s17+$0x20]  }
0x4c: {  	v0 =	vld [tilespmem:s17+$0xFFFFFFC0];
	[tilespmem:s18+$0x1020 ss:$0x81] =	vst.msk $0xffff, v6;
	s17 =	sadd.s32 $0x80, s17  }
0x4d: {  	s21 =	sadd.s32 $0x4, s21;
	v1 =	vld [tilespmem:s17+$0x30];
	[tilespmem:s18+$0x1830 ss:$0x81] =	vst.msk $0xffff, v7  }
.Ltmp4:
0x4e: {  	_ = 	snop;
	(pc) =	sbr.rel .LBB1_4-.Ltmp4, $1  }
0x4f: {  	_ =	sdelay $0x3  }
.LBB1_6:
0x50: {  	_ =	sfence.sel $0x180000  }
0x51: {  	s2 =	simm.s32 $0x1;
	[bflag:$0x0] =	sbarrier.arrive $0xFFFF  }
0x52: {  	s31 =	simm.s32 $0x2;
	[sflag:s2] =	ssyncpa.u1 $0x1  }
0x53: {  	[sflag:s31] =	ssyncpa.u1 $0x1  }
0x54: {  	p0 =	sne.s32 s0, $0x0;
	_ =	strace $0x9000004A  }
0x55: {  	s0 =	sadd.s32 @!p0 $0x100000, s1;
	[bflag:$0x2] =	sbarrier.arrive $0xFFFF  }
0x56: {  	[sflag:s0] =	ssyncadd.tile.s32 @!p0 $0x1;
	_ =	shalt  }
.Lfunc_end1:
_tile_overlayer_lowered:
.L_overlay_start_2:
0x57: {  	(tag) =	ssettag $0x2  }
0x58: {  	s0 =	rddreg [dreg:$0x0];
	s2 =	stileid.u32  }
0x59: {  	s1 =	rddreg [dreg:$0x1];
	p0 =	sne.s32 s2, $0x0  }
0x5a: {  	s3 =	rddreg [dreg:$0x2];
	[bflag:$0x3] =	sbarrier.arrive $0xFFFF;
	s2 =	simm.s32 @!p0 $0x1C01  }
0x5b: {  	[timem:s3], [sflag:s2] =	dma.local @!p0 [hbm:s0], s1  }
0x5c: {  	s0 =	simm.s32 @!p0 $0x1  }
0x5d: {  	_ =	swait.ge @!p0 [sflag:s0], s1  }
0x5e: {  	s1 =	ssub.s32 @!p0 $0x0, s1;
	[sflag:s0] =	ssyncset.done @!p0 $0x0  }
0x5f: {  	[sflag:s0] =	ssyncadd.s32 @!p0 s1  }
0x60: {  	[bflag:$0x3] =	sbarrier.arrive $0xFFFF  }
0x61: {  	_ =	shalt  }

</sc_bundles>
